<compile_context>
chip_gen: v7x
topology: tpu7x:2x2x1
jax: 0.10.2.dev20260603
libtpu: 0.0.44.dev20260713+nightly
codegen_flags: <defaults>
</compile_context>

<pallas_src>
import functools

import jax
import jax.numpy as jnp
from jax import lax
from jax.experimental import pallas as pl
from jax.experimental.pallas import tpu as pltpu
from jax.experimental.pallas import tpu_sc as plsc

_NUM_FIELDS = 26
_VOCAB = 100000
_BATCH = 16384
_LANES = 16
_HALF = _BATCH // 2
_NC, _NS = 2, 16

_mesh = plsc.VectorSubcoreMesh(
    core_axis_name="c", subcore_axis_name="s", num_cores=_NC, num_subcores=_NS
)


_FIELDS_PAD = 32


@functools.partial(
    pl.kernel,
    out_type=jax.ShapeDtypeStruct((_NUM_FIELDS, _BATCH), jnp.float32),
    mesh=_mesh,
    scratch_types=[
        pltpu.VMEM((_VOCAB,), jnp.float32),
        pltpu.VMEM((_BATCH,), jnp.int32),
        pltpu.VMEM((_HALF,), jnp.float32),
        pltpu.SemaphoreType.DMA,
        pltpu.SemaphoreType.DMA,
    ],
    compiler_params=pltpu.CompilerParams(needs_layout_passes=False),
)
def _gather_fields(tables_hbm, x_hbm, partial_hbm, table_v, idx_v, out_v, sem_t, sem_x):
    wid = lax.axis_index("s") * _NC + lax.axis_index("c")

    @pl.when(wid < _NUM_FIELDS)
    def _():
        cp_t = pltpu.async_copy(tables_hbm.at[wid], table_v, sem_t)
        cp_x = pltpu.async_copy(x_hbm.at[wid], idx_v, sem_x)
        cp_t.wait()
        cp_x.wait()

        def half(h):
            base = h * _HALF

            @plsc.parallel_loop(0, _HALF // _LANES, 1, unroll=8)
            def _loop(i):
                idx = idx_v[pl.ds(base + i * _LANES, _LANES)]
                out_v[pl.ds(i * _LANES, _LANES)] = plsc.load_gather(table_v, [idx])

            pltpu.sync_copy(out_v, partial_hbm.at[wid, pl.ds(base, _HALF)])

        half(0)
        half(1)


def _combine_body(p_ref, w_ref, b_ref, o_ref):
    p = p_ref[...]
    w = w_ref[...]
    o_ref[...] = jax.nn.sigmoid(jnp.sum(p * w, axis=0, keepdims=True) + b_ref[...])


_combine = pl.pallas_call(
    _combine_body,
    out_shape=jax.ShapeDtypeStruct((1, _BATCH), jnp.float32),
)


def kernel(x, tables, weight, bias):
    tables2d = tables.reshape(_NUM_FIELDS, _VOCAB)
    tables_pad = jnp.pad(tables2d, ((0, _FIELDS_PAD - _NUM_FIELDS), (0, 0)))
    partial = _gather_fields(tables_pad, x.astype(jnp.int32))
    w = weight.reshape(_NUM_FIELDS, 1)
    b = bias.reshape(1, 1)
    return _combine(partial, w, b)[0]

# --- scband reference (transcript-rebuilt; emitter-appended) ---
"""Pipeline reference for scband-embedding-lr-34522947125882 (READ-ONLY COPY).

The authoritative reference and input builder live on the scoring server;
editing this copy changes nothing except your own understanding.
"""

import jax, jax.numpy as jnp
import numpy as np

NUM_FIELDS = 26
VOCAB = 100000
BATCH = 16384

def setup_inputs(seed: int = 0) -> dict:
    key = jax.random.key(seed)
    k_x, = jax.random.split(key, 1)
    # x: dict-of-fields represented as stacked int tensor [F, B]; row f corresponds to field 'f{f}'
    x = jax.random.randint(k_x, (NUM_FIELDS, BATCH), 0, VOCAB, dtype=jnp.int64)
    # Embedding tables: one per field, dim 1; module initializes all weights to 1.0
    tables = jnp.ones((NUM_FIELDS, VOCAB, 1), dtype=jnp.float32)
    # Linear(26 -> 1): weight fixed to 1.0 (requires_grad=False), bias init 0.0
    weight = jnp.ones((1, NUM_FIELDS), dtype=jnp.float32)
    bias = jnp.zeros((1,), dtype=jnp.float32)
    return {"x": x, "tables": tables, "weight": weight, "bias": bias}

def reference(x, tables, weight, bias):
    # Per-field embedding lookup: emb[f, b] = tables[f, x[f, b], 0]
    field_idx = jnp.arange(NUM_FIELDS)[:, None]
    emb = tables[field_idx, x, 0]          # [F, B]
    x_emb = emb.T                           # [B, F]  (concat of per-field dim-1 embeddings)
    logits = x_emb @ weight.T + bias        # [B, 1]
    prob = jax.nn.sigmoid(logits[:, 0])     # [B]
    return prob

if __name__ == "__main__":
    import jax
    _d = setup_inputs()
    print(jax.jit(kernel)(*tuple(_d.values())))

</pallas_src>

<mosaic_0001>
#map = affine_map<(d0, d1) -> (0, 0)>
module attributes {stable_mosaic.version = 14 : i64} {
  func.func @_gather_fields(%arg0: i32, %arg1: i32, %arg2: memref<32x100000xf32, #tpu.memory_space<hbm>>, %arg3: memref<26x16384xi32, #tpu.memory_space<hbm>>, %arg4: memref<26x16384xf32, #tpu.memory_space<hbm>>, %arg5: memref<100000xf32, #tpu.memory_space<vmem>>, %arg6: memref<16384xi32, #tpu.memory_space<vmem>>, %arg7: memref<8192xf32, #tpu.memory_space<vmem>>, %arg8: memref<!tpu.dma_semaphore, #tpu.memory_space<semaphore_mem>>, %arg9: memref<!tpu.dma_semaphore, #tpu.memory_space<semaphore_mem>>) attributes {dimension_semantics = [#tpu.dimension_semantics<core_parallel>, #tpu.dimension_semantics<subcore_parallel>], iteration_bounds = array<i64: 2, 16>, scalar_prefetch = 0 : i64, scratch_operands = 5 : i64, tpu.core_type = #tpu.core_type<sc_vector_subcore>, window_params = [{transform_indices = #map}, {transform_indices = #map}, {transform_indices = #map}]} {
    %mul3A = arith.constant 2 : i32
    %mul3A_0 = arith.muli %arg1, %mul3A : i32
    %add3A = arith.addi %mul3A_0, %arg0 : i32
    %lt3A = arith.constant 26 : i32
    %lt3A_1 = arith.cmpi slt, %add3A, %lt3A : i32
    %convert_element_type3A = arith.extui %lt3A_1 : i1 to i32
    %cond3A = arith.constant 0 : i32
    %cond3A_2 = arith.cmpi ne, %convert_element_type3A, %cond3A : i32
    scf.if %cond3A_2 {
      %dma_start3A = arith.constant 0 : i32
      %dma_start3A_3 = tpu.memref_slice %arg2[%add3A, %dma_start3A] : memref<32x100000xf32, #tpu.memory_space<hbm>> -> memref<1x100000xf32, #tpu.memory_space<hbm>>
      %dma_start3A_4 = tpu.memref_squeeze %dma_start3A_3 : memref<1x100000xf32, #tpu.memory_space<hbm>> -> memref<100000xf32, #tpu.memory_space<hbm>>
      %dma_start3A_5 = arith.constant 0 : i32
      %dma_start3A_6 = tpu.memref_slice %arg2[%add3A, %dma_start3A_5] : memref<32x100000xf32, #tpu.memory_space<hbm>> -> memref<1x100000xf32, #tpu.memory_space<hbm>>
      %dma_start3A_7 = tpu.memref_squeeze %dma_start3A_6 : memref<1x100000xf32, #tpu.memory_space<hbm>> -> memref<100000xf32, #tpu.memory_space<hbm>>
      tpu.enqueue_dma source(%dma_start3A_7 : memref<100000xf32, #tpu.memory_space<hbm>>) target(%arg5 : memref<100000xf32, #tpu.memory_space<vmem>>) target_semaphore(%arg8 : memref<!tpu.dma_semaphore, #tpu.memory_space<semaphore_mem>>)
      %dma_start3A_8 = arith.constant 0 : i32
      %dma_start3A_9 = tpu.memref_slice %arg3[%add3A, %dma_start3A_8] : memref<26x16384xi32, #tpu.memory_space<hbm>> -> memref<1x16384xi32, #tpu.memory_space<hbm>>
      %dma_start3A_10 = tpu.memref_squeeze %dma_start3A_9 : memref<1x16384xi32, #tpu.memory_space<hbm>> -> memref<16384xi32, #tpu.memory_space<hbm>>
      %dma_start3A_11 = arith.constant 0 : i32
      %dma_start3A_12 = tpu.memref_slice %arg3[%add3A, %dma_start3A_11] : memref<26x16384xi32, #tpu.memory_space<hbm>> -> memref<1x16384xi32, #tpu.memory_space<hbm>>
      %dma_start3A_13 = tpu.memref_squeeze %dma_start3A_12 : memref<1x16384xi32, #tpu.memory_space<hbm>> -> memref<16384xi32, #tpu.memory_space<hbm>>
      tpu.enqueue_dma source(%dma_start3A_13 : memref<16384xi32, #tpu.memory_space<hbm>>) target(%arg6 : memref<16384xi32, #tpu.memory_space<vmem>>) target_semaphore(%arg9 : memref<!tpu.dma_semaphore, #tpu.memory_space<semaphore_mem>>)
      %dma_wait3A = arith.constant 0 : i32
      %dma_wait3A_14 = tpu.memref_slice %arg2[%add3A, %dma_wait3A] : memref<32x100000xf32, #tpu.memory_space<hbm>> -> memref<1x100000xf32, #tpu.memory_space<hbm>>
      %dma_wait3A_15 = tpu.memref_squeeze %dma_wait3A_14 : memref<1x100000xf32, #tpu.memory_space<hbm>> -> memref<100000xf32, #tpu.memory_space<hbm>>
      %dma_wait3A_16 = arith.constant 0 : i32
      %dma_wait3A_17 = tpu.memref_slice %arg2[%add3A, %dma_wait3A_16] : memref<32x100000xf32, #tpu.memory_space<hbm>> -> memref<1x100000xf32, #tpu.memory_space<hbm>>
      %dma_wait3A_18 = tpu.memref_squeeze %dma_wait3A_17 : memref<1x100000xf32, #tpu.memory_space<hbm>> -> memref<100000xf32, #tpu.memory_space<hbm>>
      tpu.wait_dma2 semaphore(%arg8 : memref<!tpu.dma_semaphore, #tpu.memory_space<semaphore_mem>>) src(%dma_wait3A_18 : memref<100000xf32, #tpu.memory_space<hbm>>) dst(%arg5 : memref<100000xf32, #tpu.memory_space<vmem>>)
      %dma_wait3A_19 = arith.constant 0 : i32
      %dma_wait3A_20 = tpu.memref_slice %arg3[%add3A, %dma_wait3A_19] : memref<26x16384xi32, #tpu.memory_space<hbm>> -> memref<1x16384xi32, #tpu.memory_space<hbm>>
      %dma_wait3A_21 = tpu.memref_squeeze %dma_wait3A_20 : memref<1x16384xi32, #tpu.memory_space<hbm>> -> memref<16384xi32, #tpu.memory_space<hbm>>
      %dma_wait3A_22 = arith.constant 0 : i32
      %dma_wait3A_23 = tpu.memref_slice %arg3[%add3A, %dma_wait3A_22] : memref<26x16384xi32, #tpu.memory_space<hbm>> -> memref<1x16384xi32, #tpu.memory_space<hbm>>
      %dma_wait3A_24 = tpu.memref_squeeze %dma_wait3A_23 : memref<1x16384xi32, #tpu.memory_space<hbm>> -> memref<16384xi32, #tpu.memory_space<hbm>>
      tpu.wait_dma2 semaphore(%arg9 : memref<!tpu.dma_semaphore, #tpu.memory_space<semaphore_mem>>) src(%dma_wait3A_24 : memref<16384xi32, #tpu.memory_space<hbm>>) dst(%arg6 : memref<16384xi32, #tpu.memory_space<vmem>>)
      %parallel_loop3A = arith.constant 0 : i32
      %parallel_loop3A_25 = arith.constant 512 : i32
      %parallel_loop3A_26 = arith.constant 1 : i32
      scf.for %parallel_loop3A_30 = %parallel_loop3A to %parallel_loop3A_25 step %parallel_loop3A_26  : i32 {
        %parallel_loop3A_31 = arith.constant 16 : i32
        %parallel_loop3A_32 = arith.muli %parallel_loop3A_30, %parallel_loop3A_31 : i32
        %parallel_loop3A_33 = arith.constant 0 : i32
        %parallel_loop3A_34 = arith.addi %parallel_loop3A_33, %parallel_loop3A_32 : i32
        %parallel_loop3A_35 = arith.index_cast %parallel_loop3A_34 : i32 to index
        %parallel_loop3A_36 = tpu.vector_load %arg6[%parallel_loop3A_35] {strides = array<i32>} : memref<16384xi32, #tpu.memory_space<vmem>>, vector<16xi32>,
        %parallel_loop3A_37 = tpu.vector_load_idx %arg5[%parallel_loop3A_36] : memref<100000xf32, #tpu.memory_space<vmem>>[vector<16xi32>], vector<16xf32>,
        %parallel_loop3A_38 = arith.constant 16 : i32
        %parallel_loop3A_39 = arith.muli %parallel_loop3A_30, %parallel_loop3A_38 : i32
        %parallel_loop3A_40 = arith.index_cast %parallel_loop3A_39 : i32 to index
        %parallel_loop3A_41 = tpu.vector_load %arg7[%parallel_loop3A_40] {strides = array<i32>} : memref<8192xf32, #tpu.memory_space<vmem>>, vector<16xf32>,
        tpu.vector_store %arg7[%parallel_loop3A_40], %parallel_loop3A_37 {strides = array<i32>} : memref<8192xf32, #tpu.memory_space<vmem>>, vector<16xf32>,
      } {sc.loop_unroll_factor = 8 : i64, sc.parallel_access}
      "tpu.region"() ({
        %run_scoped3A = tpu.sem_alloc : memref<!tpu.dma_semaphore, #tpu.memory_space<semaphore_mem>>
        %dma_start3A_30 = arith.constant 0 : i32
        %dma_start3A_31 = tpu.memref_slice %arg4[%add3A, %dma_start3A_30] : memref<26x16384xf32, #tpu.memory_space<hbm>> -> memref<1x8192xf32, #tpu.memory_space<hbm>>
        %dma_start3A_32 = tpu.memref_squeeze %dma_start3A_31 : memref<1x8192xf32, #tpu.memory_space<hbm>> -> memref<8192xf32, #tpu.memory_space<hbm>>
        %dma_start3A_33 = arith.constant 0 : i32
        %dma_start3A_34 = tpu.memref_slice %arg4[%add3A, %dma_start3A_33] : memref<26x16384xf32, #tpu.memory_space<hbm>> -> memref<1x8192xf32, #tpu.memory_space<hbm>>
        %dma_start3A_35 = tpu.memref_squeeze %dma_start3A_34 : memref<1x8192xf32, #tpu.memory_space<hbm>> -> memref<8192xf32, #tpu.memory_space<hbm>>
        tpu.enqueue_dma source(%arg7 : memref<8192xf32, #tpu.memory_space<vmem>>) target(%dma_start3A_35 : memref<8192xf32, #tpu.memory_space<hbm>>) target_semaphore(%run_scoped3A : memref<!tpu.dma_semaphore, #tpu.memory_space<semaphore_mem>>)
        %dma_wait3A_36 = arith.constant 0 : i32
        %dma_wait3A_37 = tpu.memref_slice %arg4[%add3A, %dma_wait3A_36] : memref<26x16384xf32, #tpu.memory_space<hbm>> -> memref<1x8192xf32, #tpu.memory_space<hbm>>
        %dma_wait3A_38 = tpu.memref_squeeze %dma_wait3A_37 : memref<1x8192xf32, #tpu.memory_space<hbm>> -> memref<8192xf32, #tpu.memory_space<hbm>>
        %dma_wait3A_39 = arith.constant 0 : i32
        %dma_wait3A_40 = tpu.memref_slice %arg4[%add3A, %dma_wait3A_39] : memref<26x16384xf32, #tpu.memory_space<hbm>> -> memref<1x8192xf32, #tpu.memory_space<hbm>>
        %dma_wait3A_41 = tpu.memref_squeeze %dma_wait3A_40 : memref<1x8192xf32, #tpu.memory_space<hbm>> -> memref<8192xf32, #tpu.memory_space<hbm>>
        tpu.wait_dma2 semaphore(%run_scoped3A : memref<!tpu.dma_semaphore, #tpu.memory_space<semaphore_mem>>) src(%arg7 : memref<8192xf32, #tpu.memory_space<vmem>>) dst(%dma_wait3A_41 : memref<8192xf32, #tpu.memory_space<hbm>>)
        tpu.yield
      }) : () -> ()
      %parallel_loop3A_27 = arith.constant 0 : i32
      %parallel_loop3A_28 = arith.constant 512 : i32
      %parallel_loop3A_29 = arith.constant 1 : i32
      scf.for %parallel_loop3A_30 = %parallel_loop3A_27 to %parallel_loop3A_28 step %parallel_loop3A_29  : i32 {
        %parallel_loop3A_31 = arith.constant 16 : i32
        %parallel_loop3A_32 = arith.muli %parallel_loop3A_30, %parallel_loop3A_31 : i32
        %parallel_loop3A_33 = arith.constant 8192 : i32
        %parallel_loop3A_34 = arith.addi %parallel_loop3A_33, %parallel_loop3A_32 : i32
        %parallel_loop3A_35 = arith.index_cast %parallel_loop3A_34 : i32 to index
        %parallel_loop3A_36 = tpu.vector_load %arg6[%parallel_loop3A_35] {strides = array<i32>} : memref<16384xi32, #tpu.memory_space<vmem>>, vector<16xi32>,
        %parallel_loop3A_37 = tpu.vector_load_idx %arg5[%parallel_loop3A_36] : memref<100000xf32, #tpu.memory_space<vmem>>[vector<16xi32>], vector<16xf32>,
        %parallel_loop3A_38 = arith.constant 16 : i32
        %parallel_loop3A_39 = arith.muli %parallel_loop3A_30, %parallel_loop3A_38 : i32
        %parallel_loop3A_40 = arith.index_cast %parallel_loop3A_39 : i32 to index
        %parallel_loop3A_41 = tpu.vector_load %arg7[%parallel_loop3A_40] {strides = array<i32>} : memref<8192xf32, #tpu.memory_space<vmem>>, vector<16xf32>,
        tpu.vector_store %arg7[%parallel_loop3A_40], %parallel_loop3A_37 {strides = array<i32>} : memref<8192xf32, #tpu.memory_space<vmem>>, vector<16xf32>,
      } {sc.loop_unroll_factor = 8 : i64, sc.parallel_access}
      "tpu.region"() ({
        %run_scoped3A = tpu.sem_alloc : memref<!tpu.dma_semaphore, #tpu.memory_space<semaphore_mem>>
        %dma_start3A_30 = arith.constant 8192 : i32
        %dma_start3A_31 = tpu.memref_slice %arg4[%add3A, %dma_start3A_30] : memref<26x16384xf32, #tpu.memory_space<hbm>> -> memref<1x8192xf32, #tpu.memory_space<hbm>>
        %dma_start3A_32 = tpu.memref_squeeze %dma_start3A_31 : memref<1x8192xf32, #tpu.memory_space<hbm>> -> memref<8192xf32, #tpu.memory_space<hbm>>
        %dma_start3A_33 = arith.constant 8192 : i32
        %dma_start3A_34 = tpu.memref_slice %arg4[%add3A, %dma_start3A_33] : memref<26x16384xf32, #tpu.memory_space<hbm>> -> memref<1x8192xf32, #tpu.memory_space<hbm>>
        %dma_start3A_35 = tpu.memref_squeeze %dma_start3A_34 : memref<1x8192xf32, #tpu.memory_space<hbm>> -> memref<8192xf32, #tpu.memory_space<hbm>>
        tpu.enqueue_dma source(%arg7 : memref<8192xf32, #tpu.memory_space<vmem>>) target(%dma_start3A_35 : memref<8192xf32, #tpu.memory_space<hbm>>) target_semaphore(%run_scoped3A : memref<!tpu.dma_semaphore, #tpu.memory_space<semaphore_mem>>)
        %dma_wait3A_36 = arith.constant 8192 : i32
        %dma_wait3A_37 = tpu.memref_slice %arg4[%add3A, %dma_wait3A_36] : memref<26x16384xf32, #tpu.memory_space<hbm>> -> memref<1x8192xf32, #tpu.memory_space<hbm>>
        %dma_wait3A_38 = tpu.memref_squeeze %dma_wait3A_37 : memref<1x8192xf32, #tpu.memory_space<hbm>> -> memref<8192xf32, #tpu.memory_space<hbm>>
        %dma_wait3A_39 = arith.constant 8192 : i32
        %dma_wait3A_40 = tpu.memref_slice %arg4[%add3A, %dma_wait3A_39] : memref<26x16384xf32, #tpu.memory_space<hbm>> -> memref<1x8192xf32, #tpu.memory_space<hbm>>
        %dma_wait3A_41 = tpu.memref_squeeze %dma_wait3A_40 : memref<1x8192xf32, #tpu.memory_space<hbm>> -> memref<8192xf32, #tpu.memory_space<hbm>>
        tpu.wait_dma2 semaphore(%run_scoped3A : memref<!tpu.dma_semaphore, #tpu.memory_space<semaphore_mem>>) src(%arg7 : memref<8192xf32, #tpu.memory_space<vmem>>) dst(%dma_wait3A_41 : memref<8192xf32, #tpu.memory_space<hbm>>)
        tpu.yield
      }) : () -> ()
    } else {
    }
    return
  }
}

module attributes {stable_mosaic.version = 14 : i64} {
  func.func @_combine_body(%arg0: memref<26x16384xf32, #tpu.memory_space<vmem>>, %arg1: memref<26x1xf32, #tpu.memory_space<vmem>>, %arg2: memref<1x1xf32, #tpu.memory_space<vmem>>, %arg3: memref<1x16384xf32, #tpu.memory_space<vmem>>) attributes {dimension_semantics = [], scalar_prefetch = 0 : i64, scratch_operands = 0 : i64, tpu.core_type = #tpu.core_type<tc>} {
    %get3A = arith.constant 0 : index
    %get3A_0 = arith.constant 0 : index
    %get3A_1 = vector.load %arg0[%get3A, %get3A_0] : memref<26x16384xf32, #tpu.memory_space<vmem>>, vector<26x16384xf32>
    %get3A_2 = arith.constant 0 : index
    %get3A_3 = arith.constant 0 : index
    %get3A_4 = vector.load %arg1[%get3A_2, %get3A_3] : memref<26x1xf32, #tpu.memory_space<vmem>>, vector<26x1xf32>
    %mul3A = vector.broadcast %get3A_4 : vector<26x1xf32> to vector<26x16384xf32>
    %mul3A_5 = arith.mulf %get3A_1, %mul3A : vector<26x16384xf32>
    %reduce_sum3A = arith.constant dense<0.000000e+00> : vector<16384xf32>
    %reduce_sum3A_6 = vector.multi_reduction <add>, %mul3A_5, %reduce_sum3A [0] : vector<26x16384xf32> to vector<16384xf32>
    %broadcast_in_dim3A = vector.shape_cast %reduce_sum3A_6 : vector<16384xf32> to vector<1x16384xf32>
    %get3A_7 = arith.constant 0 : index
    %get3A_8 = arith.constant 0 : index
    %get3A_9 = vector.load %arg2[%get3A_7, %get3A_8] : memref<1x1xf32, #tpu.memory_space<vmem>>, vector<1x1xf32>
    %add3A = vector.broadcast %get3A_9 : vector<1x1xf32> to vector<1x16384xf32>
    %add3A_10 = arith.addf %broadcast_in_dim3A, %add3A : vector<1x16384xf32>
    %logistic3A = arith.negf %add3A_10 : vector<1x16384xf32>
    %logistic3A_11 = math.exp %logistic3A : vector<1x16384xf32>
    %logistic3A_12 = arith.constant 1.000000e+00 : f32
    %logistic3A_13 = vector.broadcast %logistic3A_12 : f32 to vector<1x16384xf32>
    %logistic3A_14 = arith.addf %logistic3A_13, %logistic3A_11 : vector<1x16384xf32>
    %logistic3A_15 = arith.divf %logistic3A_13, %logistic3A_14 : vector<1x16384xf32>
    %swap3A = arith.constant 0 : index
    %swap3A_16 = arith.constant 0 : index
    %swap3A_17 = vector.load %arg3[%swap3A, %swap3A_16] : memref<1x16384xf32, #tpu.memory_space<vmem>>, vector<1x16384xf32>
    tpu.vector_store %arg3[%swap3A, %swap3A_16], %logistic3A_15 {strides = array<i32>} : memref<1x16384xf32, #tpu.memory_space<vmem>>, vector<1x16384xf32>,
    return
  }
}

</mosaic_0001>

<sc_bundles>
// kernel: kernel.4.cloned.1.call-start
scs
__scs_entry_jumppad:
0x0: {  	(pc) =	sbr.rel $0x88, $3  }
0x1: {  	(tag) =	ssettag $0x0;
	lr =	simm.s32 $0x1  }
0x2: {  	[smem:$0x3F9D] =	sst lr;
	_ =	strace $0xD0000000  }
0x3: {  	_ = 	snop  }
0x4: {  	_ = 	snop  }
0x5: {  	_ = 	snop  }
0x6: {  	_ = 	snop  }
0x7: {  	_ = 	snop  }
__scs_overlays_trampoline_lowered:
0x8: {  	[smem:$0x3FAC] =	sst s0  }
0x9: {  	[smem:$0x3FAD] =	sst s1  }
0xa: {  	[smem:$0x3FAE] =	sst s2  }
0xb: {  	[smem:$0x3FAF] =	sst s3  }
0xc: {  	[smem:$0x3FB0] =	sst s4  }
0xd: {  	[smem:$0x3FB1] =	sst s5  }
0xe: {  	[smem:$0x3FB2] =	sst s6  }
0xf: {  	[smem:$0x3FB3] =	sst s7  }
0x10: {  	[smem:$0x3FB4] =	sst s8  }
0x11: {  	[smem:$0x3FB5] =	sst s9;
	s0 =	simm.s32 @!p0 $0x0  }
0x12: {  	s1 =	sld [smem:$0x3F9B];
	s0 =	simm.s32 @p0 $0x1  }
0x13: {  	[smem:$0x3FB6] =	sst s0;
	s0 =	simm.s32 @!p1 $0x0  }
0x14: {  	s2 =	sld [smem:$0x3F9A];
	s0 =	simm.s32 @p1 $0x1  }
0x15: {  	[smem:$0x3FB7] =	sst s0;
	s0 =	simm.s32 @!p2 $0x0  }
0x16: {  	s3 =	sld [smem:$0x3FDB];
	s0 =	simm.s32 @p2 $0x1  }
0x17: {  	s4 =	simm.s32 $0x1BF5;
	[smem:$0x3FB9] =	sst s0  }
0x18: {  	s0 =	sld [smem:$0x3F9C];
	_ =	swait.ge [sflag:s4], $0x0  }
0x19: {  	s7 =	sld [smem:$0x3F9D]  }
0x1a: {  	s8 =	sadd.s32 $0xFFFFE003, lr  }
0x1b: {  	s9 =	sadd.s32 $0xFFFFFEF7, lr;
	s5 =	simm.s32 $0xFFFFFFFF;
	p2 =	slt.u32 s8, $0xFFFFF086  }
0x1c: {  	p1 =	slt.u32 s9, $0xF7A;
	s5 =	simm.s32 @!p2 $0x0  }
0x1d: {  	s5 =	simm.s32 @p1 $0x1;
	p0 =	seq.s32 s7, s2  }
0x1e: {  	s7 =	smul.u32 @!p0 $0xF7A, s2;
	p2 =	seq.s32 @!p0 s5, $0x0  }
0x1f: {  	s9 =	smul.u32 $0xF7A, s1;
	s8 =	simm.s32 @!p0 $0x1BF5;
	p2 =	por !p2, p0  }
0x20: {  	[sflag:s8] =	ssyncset.s32 @!p0 $0xFFFFF086;
	s6 =	sadd.s32 @!p0 s3, s7;
	s7 =	simm.s32 @!p0 $0x108  }
0x21: {  	s3 =	sadd.s32 s3, s9;
	s6 =	sadd.s32 @!p0 $0x88, s6;
	s7 =	simm.s32 @p2 $0x1082  }
0x22: {  	[simem:s7], [sflag:s8] =	dma.local @!p0 [hbm:s6], $0xF7A  }
0x23: {  	s9 =	sor.u32 $0xD0000000, s2;
	s6 =	simm.s32 $0x108;
	_ =	swait.ge @!p0 [sflag:s8], $0x0  }
0x24: {  	s3 =	sadd.s32 $0x88, s3;
	s6 =	simm.s32 @!p1 $0x1082;
	[sflag:s4] =	ssyncset.s32 $0xFFFFF086  }
0x25: {  	[simem:s6], [sflag:s4] =	dma.local [hbm:s3], $0xF7A  }
0x26: {  	[smem:$0x3F9D] =	sst s1;
	(tag) =	ssettag s2;
	_ =	strace s9  }
0x27: {  	s1 =	sld [smem:$0x3FAD]  }
0x28: {  	s2 =	sld [smem:$0x3FAE]  }
0x29: {  	s4 =	sld [smem:$0x3FB0]  }
0x2a: {  	p0 =	seq.s32 s5, $0x0;
	s5 =	sld [smem:$0x3FB1]  }
0x2b: {  	s6 =	sld [smem:$0x3FB2]  }
0x2c: {  	s7 =	sld [smem:$0x3FB3]  }
0x2d: {  	s3 =	simm.s32 $0x108;
	s8 =	sld [smem:$0x3FB4]  }
0x2e: {  	s3 =	simm.s32 @!p0 $0x1082;
	s9 =	sld [smem:$0x3FB5]  }
0x2f: {  	lr =	sadd.s32 s0, s3;
	s0 =	sld [smem:$0x3FAC]  }
0x30: {  	s3 =	sld [smem:$0x3FAF]  }
0x31: {  	[smem:$0x3FB8] =	sst s10  }
0x32: {  	s10 =	sld [smem:$0x3FB6];
	_ =	sdelay $0x3  }
0x33: {  	p0 =	seq.s32 s10, $0x1;
	s10 =	sld [smem:$0x3FB8];
	_ =	sdelay $0x3  }
0x34: {  	[smem:$0x3FB8] =	sst s10  }
0x35: {  	s10 =	sld [smem:$0x3FB7];
	_ =	sdelay $0x3  }
0x36: {  	p1 =	seq.s32 s10, $0x1;
	s10 =	sld [smem:$0x3FB8];
	_ =	sdelay $0x3  }
0x37: {  	[smem:$0x3FB8] =	sst s10  }
0x38: {  	s10 =	sld [smem:$0x3FB9]  }
0x39: {  	_ = 	snop;
	(pc) =	sbr.ind lr, $3  }
0x3a: {  	_ = 	snop  }
0x3b: {  	_ = 	snop  }
0x3c: {  	p2 =	seq.s32 s10, $0x1;
	s10 =	sld [smem:$0x3FB8]  }
0x3d: {  	_ =	shalt  }
0x3e: {  	_ =	shalt  }
0x3f: {  	_ =	shalt  }
0x40: {  	_ =	shalt  }
0x41: {  	_ =	shalt  }
0x42: {  	_ =	shalt  }
0x43: {  	_ =	shalt  }
0x44: {  	_ =	shalt  }
0x45: {  	_ =	shalt  }
0x46: {  	_ =	shalt  }
0x47: {  	_ =	shalt  }
0x48: {  	_ =	shalt  }
0x49: {  	_ =	shalt  }
0x4a: {  	_ =	shalt  }
0x4b: {  	_ =	shalt  }
0x4c: {  	_ =	shalt  }
0x4d: {  	_ =	shalt  }
0x4e: {  	_ =	shalt  }
0x4f: {  	_ =	shalt  }
0x50: {  	_ =	shalt  }
0x51: {  	_ =	shalt  }
0x52: {  	_ =	shalt  }
0x53: {  	_ =	shalt  }
0x54: {  	_ =	shalt  }
0x55: {  	_ =	shalt  }
0x56: {  	_ =	shalt  }
0x57: {  	_ =	shalt  }
0x58: {  	_ =	shalt  }
0x59: {  	_ =	shalt  }
0x5a: {  	_ =	shalt  }
0x5b: {  	_ =	shalt  }
0x5c: {  	_ =	shalt  }
0x5d: {  	_ =	shalt  }
0x5e: {  	_ =	shalt  }
0x5f: {  	_ =	shalt  }
0x60: {  	_ =	shalt  }
0x61: {  	_ =	shalt  }
0x62: {  	_ =	shalt  }
0x63: {  	_ =	shalt  }
0x64: {  	_ =	shalt  }
0x65: {  	_ =	shalt  }
0x66: {  	_ =	shalt  }
0x67: {  	_ =	shalt  }
0x68: {  	_ =	shalt  }
0x69: {  	_ =	shalt  }
0x6a: {  	_ =	shalt  }
0x6b: {  	_ =	shalt  }
0x6c: {  	_ =	shalt  }
0x6d: {  	_ =	shalt  }
0x6e: {  	_ =	shalt  }
0x6f: {  	_ =	shalt  }
0x70: {  	_ =	shalt  }
0x71: {  	_ =	shalt  }
0x72: {  	_ =	shalt  }
0x73: {  	_ =	shalt  }
0x74: {  	_ =	shalt  }
0x75: {  	_ =	shalt  }
0x76: {  	_ =	shalt  }
0x77: {  	_ =	shalt  }
0x78: {  	_ =	shalt  }
0x79: {  	_ =	shalt  }
0x7a: {  	_ =	shalt  }
0x7b: {  	_ =	shalt  }
0x7c: {  	_ =	shalt  }
0x7d: {  	_ =	shalt  }
0x7e: {  	_ =	shalt  }
0x7f: {  	_ =	shalt  }
0x80: {  	_ =	shalt  }
0x81: {  	_ =	shalt  }
0x82: {  	_ =	shalt  }
0x83: {  	_ =	shalt  }
0x84: {  	_ =	shalt  }
0x85: {  	_ =	shalt  }
0x86: {  	_ =	shalt  }
0x87: {  	_ =	shalt  }
.Lfunc_end0:
.L_simem_size_0:
called_computation_lowered:
.L_overlay_start_0:
0x88: {  	s2 =	sld [smem:$0x3FD9]  }
0x89: {  	s3 =	sld [smem:$0x3FFE];
	_ =	sdelay $0x1  }
0x8a: {  	s1 =	srdreg.scid  }
0x8b: {  	s0 =	sand.u32 $0x1, s1  }
0x8c: {  	s17 =	sshll.u32 s0, $0xA;
	s2 =	sadd.s32 s3, s2  }
0x8d: {  	s2 =	sadd.s32 s2, s17  }
0x8e: {  	[smem:$0x3FC4] =	sst s2  }
0x8f: {  	_ = 	snop  }
0x90: {  	s2 =	sld [smem:$0x3FC9];
	(tm) =	ssettm $0x1  }
0x91: {  	s18 =	sld [smem:$0x3FFB];
	_ =	sdelay $0x3  }
0x92: {  	_ =	strace s18  }
0x93: {  	s3 =	sld [smem:$0x3FFC];
	_ =	sdelay $0x3  }
0x94: {  	_ =	strace s3  }
0x95: {  	s3 =	sld [smem:$0x3FFD];
	_ =	sdelay $0x3  }
0x96: {  	_ =	strace s3  }
0x97: {  	_ =	strace $0x8FFFFFFF  }
0x98: {  	s19 =	sld [smem:$0x3FDB];
	_ =	sdelay $0x1  }
0x99: {  	s4 =	simm.s32 $_scs_section_size  }
0x9a: {  	s5 =	simm.s32 $_size__tile_overlayer_lowered;
	s6 =	simm.s32 $_tile_overlayer_lowered  }
0x9b: {  	s22 =	simm.s32 $0x1BFF;
	s21 =	sshll.u32 s6, $0x1;
	s3 =	sadd.s32 s4, s19  }
0x9c: {  	s7 =	simm.s32 $0x0;
	s20 =	sshll.u32 s5, $0x1;
	s5 =	sadd.s32 s21, s3  }
0x9d: {  	[timem:s7], [sflag:s22] =	dma.local [hbm:s5], s20  }
0x9e: {  	_ =	swait.ge [sflag:s22], s20  }
0x9f: {  	s4 =	ssub.s32 $0x0, s20;
	[sflag:s22] =	ssyncset.done $0x0  }
0xa0: {  	[sflag:s22] =	ssyncadd.s32 s4;
	_ =	sdelay $0x1  }
0xa1: {  	s23 =	simm.s32 $0x1B8B  }
0xa2: {  	_ =	swait.ge [sflag:s23], $0x1  }
0xa3: {  	[sflag:s23] =	ssyncset.done $0x0  }
0xa4: {  	s25 =	simm.s32 $0x1B8E;
	s24 =	sld [smem:$0x3FFE];
	[sflag:s23] =	ssyncadd.s32 $0xFFFFFFFF  }
0xa5: {  	s26 =	simm.s32 $execute0_lowered;
	[smem:$0x3FD2] =	sst s25  }
0xa6: {  	s5 =	sshll.u32 s26, $0x1;
	_ =	strace $0x80000046;
	[dreg:$0x1] =	wrdreg $0xFFFFFFFF  }
0xa7: {  	s28 =	simm.s32 $_size_execute0_lowered;
	s3 =	sadd.s32 s3, s5;
	[dreg:$0x0] =	wrdreg $0x0  }
0xa8: {  	s5 =	sshll.u32 s28, $0x1;
	[dreg:$0x2] =	wrdreg s3  }
0xa9: {  	[dreg:$0x3] =	wrdreg s5  }
0xaa: {  	[dreg:$0x4] =	wrdreg $0xC0  }
0xab: {  	_ =	task [dreg:s7], $0x5FFFF  }
0xac: {  	[dreg:$0x1] =	wrdreg $0xFFFFFFFF  }
0xad: {  	[dreg:$0x0] =	wrdreg $0x60  }
0xae: {  	[dreg:$0x2] =	wrdreg s24  }
0xaf: {  	[dreg:$0x3] =	wrdreg s2  }
0xb0: {  	[dreg:$0x4] =	wrdreg $0x9  }
0xb1: {  	_ =	task.clear_ibuf [dreg:s7], $0x5FFFF;
	_ =	strace $0x90000046  }
0xb2: {  	s29 =	simm.s32 $0x9;
	_ =	strace $0x80000048  }
0xb3: {  	_ =	swait.ge [sflag:s29], $0x1  }
0xb4: {  	[sflag:s29] =	ssyncadd.s32 $0xFFFFFFFF  }
0xb5: {  	_ =	strace $0x90000048  }
0xb6: {  	_ =	sfence  }
0xb7: {  	s30 =	sld [smem:$0x0];
	_ =	sdelay $0x2  }
0xb8: {  	s31 =	sshll.u32 s1, $0xD;
	s1 =	sshrl.u32 s1, $0x2  }
0xb9: {  	s3 =	sand.u32 $0x4000, s31;
	s1 =	sadd.s32 s1, s30  }
0xba: {  	s0 =	sor.u32 s3, s0;
	s1 =	sshll.u32 s1, $0x11  }
0xbb: {  	s0 =	sor.u32 s1, s0  }
0xbc: {  	s0 =	sadd.s32 $0x8F2B, s0  }
0xbd: {  	[sflag:s0] =	ssyncadd.remote.s32 $0x1  }
0xbe: {  	_ =	sfence.sel $0xFFFF  }
0xbf: {  	[dreg:$0x0] =	wrdreg $0xFFFFFFFF;
	(pc) =	sbr.abs _section_cstart, $3  }
0xc0: {  	[dreg:$0x1] =	wrdreg $0xFFFFFFFF  }
0xc1: {  	_ =	task.clear_ibuf [dreg:s7], $0x2FFFF;
	_ =	strace $0x9FFFFFFF  }
0xc2: {  	(tm) =	ssettm $0x7FFFFFFF  }
0xc3: {  	_ =	shalt  }
tec
execute0_lowered:
.L_overlay_start_1:
0x0: {  	(tag) =	ssettag $0x1  }
0x1: {  	s1 =	stileid.u32  }
0x2: {  	p0 =	sgt.u32 s1, $0xC  }
.Ltmp0:
0x3: {  	_ = 	snop;
	(pc) =	sbr.rel @p0 .LBB2_7-.Ltmp0, $4  }
0x4: {  	s3 =	rddreg [dreg:$0x0]  }
0x5: {  	s5 =	rddreg [dreg:$0x1];
	s2 =	simm.s32 $0x0  }
0x6: {  	[smem:$0x7FF] =	sst s2  }
0x7: {  	s0 =	rddreg [dreg:$0x2];
	_ =	strace $0x80000047  }
0x8: {  	s4 =	srdreg.scid  }
0x9: {  	s6 =	sshll.u32 s1, $0x8;
	s8 =	sshrl.u32 s1, $0x2;
	s9 =	sadd.s32 $0x800, s3  }
0xa: {  	s12 =	simm.s32 $0x2;
	s13 =	simm.s32 $0x1C700;
	s14 =	simm.s32 $0x3  }
0xb: {  	s4 =	sand.u32 $0x1, s4;
	s6 =	sand.u32 $0x300, s6;
	s30 =	sshll.u32 s8, $0x11  }
0xc: {  	s8 =	smul.u32 $0xC3800, s8;
	s7 =	sshll.u32 s4, $0x7;
	s11 =	ssub.s32 $0x2, s4  }
0xd: {  	s15 =	simm.s32 $0x0;
	s6 =	sor.u32 s7, s6;
	s31 =	sshrl.u32 s11, $0x1  }
0xe: {  	s7 =	sor.u32 s30, s6;
	s6 =	sor.u32 s8, s6;
	s8 =	ssub.s32 s11, s31  }
0xf: {  	s11 =	simm.s32 $0x1;
	s7 =	sshrl.u32 s7, $0x3;
	s6 =	sshrl.u32 s6, $0x3  }
0x10: {  	s10 =	sadd.s32 s7, s3;
	s5 =	sadd.s32 s5, s7;
	s6 =	sadd.s32 s9, s6  }
0x11: {  	s7 =	smax.u32 s8, $0x1;
	s8 =	simm.s32 $0x80;
	s9 =	simm.s32 $0x400  }
0x12: {  	s3 =	sadd.s32 $0x62400, s10;
	s4 =	sadd.s32 $0x64400, s10;
	s10 =	simm.s32 $0x18700  }
.LBB2_2:
0x13: {  	[tilespmem:s2], [sflag:$0x1] =	stream.strided.gather [hbm4b:s6+s8], $0x18700, s9, s8, $0x38;
	[tilespmem:$0x1E700] =	vst v63  }
0x14: {  	_ = 	snop  }
0x15: {  	[tilespmem:s10], [sflag:$0x2] =	stream.strided.gather [hbm4b:s5+s8], $0x4000, s9, s8, $0x38;
	[tilespmem:$0x1E700] =	vst v63  }
0x16: {  	_ =	swait.ge [sflag:s11], $0x18700  }
0x17: {  	[sflag:s11] =	ssyncset.done $0x0  }
0x18: {  	[sflag:s11] =	ssyncadd.s32 $0xFFFE7900  }
0x19: {  	_ =	swait.ge [sflag:s12], $0x4000  }
0x1a: {  	[sflag:s12] =	ssyncset.done $0x0  }
0x1b: {  	s16 =	simm.s32 $0x18740;
	[sflag:s12] =	ssyncadd.s32 $0xFFFFC000  }
0x1c: {  	v0 =	vld [tilespmem:s16+$0x30]  }
0x1d: {  	v1 =	vld [tilespmem:s16+$0xFFFFFFD0]  }
0x1e: {  	v2 =	vld [tilespmem:s16+$0xFFFFFFE0]  }
0x1f: {  	v3 =	vld [tilespmem:s16+$0xFFFFFFF0]  }
0x20: {  	v4 =	vld [tilespmem:s16+$0x0]  }
0x21: {  	v6 =	vld [tilespmem:s16+$0x10]  }
0x22: {  	v7 =	vld [tilespmem:s16+$0x20]  }
0x23: {  	v8 =	vld [tilespmem:s16+$0xFFFFFFC0]  }
0x24: {  	v9 =	vld.idx.msk [tilespmem:v0+s2+$0x0], $0xffff  }
0x25: {  	v10 =	vld.idx.msk [tilespmem:v1+s2+$0x0], $0xffff  }
0x26: {  	v5 =	vld.idx.msk [tilespmem:v2+s2+$0x0], $0xffff  }
0x27: {  	v3 =	vld.idx.msk [tilespmem:v3+s2+$0x0], $0xffff  }
0x28: {  	v0 =	vld.idx.msk [tilespmem:v4+s2+$0x0], $0xffff  }
0x29: {  	s16 =	simm.s32 $0x1C740;
	v1 =	vld.idx.msk [tilespmem:v6+s2+$0x0], $0xffff  }
0x2a: {  	v2 =	vld.idx.msk [tilespmem:v7+s2+$0x0], $0xffff;
	[tilespmem:s16+$0x30] =	vst v9  }
0x2b: {  	s17 =	simm.s32 $0x0;
	s18 =	simm.s32 $0x187C0;
	v4 =	vld.idx.msk [tilespmem:v8+s2+$0x0], $0xffff;
	[tilespmem:s16+$0xFFFFFFD0] =	vst v10  }
.LBB2_3:
0x2c: {  	v6 =	vld [tilespmem:s18+$0x30];
	s17 =	sadd.s32 $0x8, s17;
	[tilespmem:s16+$0xFFFFFFE0] =	vst v5  }
0x2d: {  	v5 =	vld [tilespmem:s18+$0xFFFFFFD0];
	p0 =	slt.u32 s17, $0x1F8;
	[tilespmem:s16+$0xFFFFFFF0] =	vst v3  }
0x2e: {  	v3 =	vld [tilespmem:s18+$0xFFFFFFE0];
	[tilespmem:s16+$0x0] =	vst v0  }
0x2f: {  	v0 =	vld [tilespmem:s18+$0xFFFFFFF0];
	[tilespmem:s16+$0x10] =	vst v1  }
0x30: {  	v1 =	vld [tilespmem:s18+$0x0];
	[tilespmem:s16+$0x20] =	vst v2  }
0x31: {  	v2 =	vld [tilespmem:s18+$0x10];
	[tilespmem:s16+$0xFFFFFFC0] =	vst v4  }
0x32: {  	v4 =	vld [tilespmem:s18+$0x20]  }
0x33: {  	v7 =	vld [tilespmem:s18+$0xFFFFFFC0]  }
0x34: {  	v6 =	vld.idx.msk [tilespmem:v6+s2+$0x0], $0xffff  }
0x35: {  	v8 =	vld.idx.msk [tilespmem:v5+s2+$0x0], $0xffff  }
0x36: {  	v5 =	vld.idx.msk [tilespmem:v3+s2+$0x0], $0xffff  }
.Ltmp1:
0x37: {  	v3 =	vld.idx.msk [tilespmem:v0+s2+$0x0], $0xffff;
	(pc) =	sbr.rel @p0 .LBB2_3-.Ltmp1, $4  }
0x38: {  	v0 =	vld.idx.msk [tilespmem:v1+s2+$0x0], $0xffff  }
0x39: {  	s16 =	sadd.s32 $0x80, s16;
	v1 =	vld.idx.msk [tilespmem:v2+s2+$0x0], $0xffff  }
0x3a: {  	v2 =	vld.idx.msk [tilespmem:v4+s2+$0x0], $0xffff;
	[tilespmem:s16+$0x30] =	vst v6  }
0x3b: {  	s18 =	sadd.s32 $0x80, s18;
	v4 =	vld.idx.msk [tilespmem:v7+s2+$0x0], $0xffff;
	[tilespmem:s16+$0xFFFFFFD0] =	vst v8  }
0x3c: {  	[tilespmem:s16+$0xFFFFFFE0] =	vst v5  }
0x3d: {  	[tilespmem:s16+$0xFFFFFFF0] =	vst v3  }
0x3e: {  	[tilespmem:s16+$0x0] =	vst v0  }
0x3f: {  	[tilespmem:s16+$0x10] =	vst v1  }
0x40: {  	[tilespmem:s16+$0x20] =	vst v2  }
0x41: {  	[tilespmem:s16+$0xFFFFFFC0] =	vst v4  }
0x42: {  	[hbm4b:s3+s8] =	stream.strided.scatter [tilespmem:s13], [sflag:$0x3], $0x2000, s9, s8, $0x38;
	[tilespmem:$0x1E700] =	vst v63  }
0x43: {  	_ =	swait.ge [sflag:s14], $0x2000  }
0x44: {  	[sflag:s14] =	ssyncset.done $0x0  }
0x45: {  	s31 =	simm.s32 $0x1A770;
	[sflag:s14] =	ssyncadd.s32 $0xFFFFE000  }
0x46: {  	v0 =	vld [tilespmem:s31+$0x0]  }
0x47: {  	v1 =	vld [tilespmem:s31+$0xFFFFFFA0]  }
0x48: {  	v2 =	vld [tilespmem:s31+$0xFFFFFFB0]  }
0x49: {  	v3 =	vld [tilespmem:s31+$0xFFFFFFC0]  }
0x4a: {  	v4 =	vld [tilespmem:s31+$0xFFFFFFD0]  }
0x4b: {  	v6 =	vld [tilespmem:s31+$0xFFFFFFE0]  }
0x4c: {  	v7 =	vld [tilespmem:s31+$0xFFFFFFF0]  }
0x4d: {  	v8 =	vld [tilespmem:s31+$0xFFFFFF90]  }
0x4e: {  	v9 =	vld.idx.msk [tilespmem:v0+s2+$0x0], $0xffff  }
0x4f: {  	v10 =	vld.idx.msk [tilespmem:v1+s2+$0x0], $0xffff  }
0x50: {  	v5 =	vld.idx.msk [tilespmem:v2+s2+$0x0], $0xffff  }
0x51: {  	v3 =	vld.idx.msk [tilespmem:v3+s2+$0x0], $0xffff  }
0x52: {  	v0 =	vld.idx.msk [tilespmem:v4+s2+$0x0], $0xffff  }
0x53: {  	s16 =	simm.s32 $0x1C740;
	v1 =	vld.idx.msk [tilespmem:v6+s2+$0x0], $0xffff  }
0x54: {  	v2 =	vld.idx.msk [tilespmem:v7+s2+$0x0], $0xffff;
	[tilespmem:s16+$0x30] =	vst v9  }
0x55: {  	s17 =	simm.s32 $0x0;
	s18 =	simm.s32 $0x1A7F0;
	v4 =	vld.idx.msk [tilespmem:v8+s2+$0x0], $0xffff;
	[tilespmem:s16+$0xFFFFFFD0] =	vst v10  }
.LBB2_5:
0x56: {  	v6 =	vld [tilespmem:s18+$0x0];
	s17 =	sadd.s32 $0x8, s17;
	[tilespmem:s16+$0xFFFFFFE0] =	vst v5  }
0x57: {  	v5 =	vld [tilespmem:s18+$0xFFFFFFA0];
	p0 =	slt.u32 s17, $0x1F8;
	[tilespmem:s16+$0xFFFFFFF0] =	vst v3  }
0x58: {  	v3 =	vld [tilespmem:s18+$0xFFFFFFB0];
	[tilespmem:s16+$0x0] =	vst v0  }
0x59: {  	v0 =	vld [tilespmem:s18+$0xFFFFFFC0];
	[tilespmem:s16+$0x10] =	vst v1  }
0x5a: {  	v1 =	vld [tilespmem:s18+$0xFFFFFFD0];
	[tilespmem:s16+$0x20] =	vst v2  }
0x5b: {  	v2 =	vld [tilespmem:s18+$0xFFFFFFE0];
	[tilespmem:s16+$0xFFFFFFC0] =	vst v4  }
0x5c: {  	v4 =	vld [tilespmem:s18+$0xFFFFFFF0]  }
0x5d: {  	v7 =	vld [tilespmem:s18+$0xFFFFFF90]  }
0x5e: {  	v6 =	vld.idx.msk [tilespmem:v6+s2+$0x0], $0xffff  }
0x5f: {  	v8 =	vld.idx.msk [tilespmem:v5+s2+$0x0], $0xffff  }
0x60: {  	v5 =	vld.idx.msk [tilespmem:v3+s2+$0x0], $0xffff  }
.Ltmp2:
0x61: {  	v3 =	vld.idx.msk [tilespmem:v0+s2+$0x0], $0xffff;
	(pc) =	sbr.rel @p0 .LBB2_5-.Ltmp2, $4  }
0x62: {  	v0 =	vld.idx.msk [tilespmem:v1+s2+$0x0], $0xffff  }
0x63: {  	s16 =	sadd.s32 $0x80, s16;
	v1 =	vld.idx.msk [tilespmem:v2+s2+$0x0], $0xffff  }
0x64: {  	v2 =	vld.idx.msk [tilespmem:v4+s2+$0x0], $0xffff;
	[tilespmem:s16+$0x30] =	vst v6  }
0x65: {  	s18 =	sadd.s32 $0x80, s18;
	v4 =	vld.idx.msk [tilespmem:v7+s2+$0x0], $0xffff;
	[tilespmem:s16+$0xFFFFFFD0] =	vst v8  }
0x66: {  	[tilespmem:s16+$0xFFFFFFE0] =	vst v5  }
0x67: {  	[tilespmem:s16+$0xFFFFFFF0] =	vst v3  }
0x68: {  	[tilespmem:s16+$0x0] =	vst v0  }
0x69: {  	s15 =	sadd.s32 $0x1, s15;
	[tilespmem:s16+$0x10] =	vst v1  }
0x6a: {  	p0 =	sne.s32 s15, s7;
	[tilespmem:s16+$0x20] =	vst v2  }
.Ltmp3:
0x6b: {  	[tilespmem:s16+$0xFFFFFFC0] =	vst v4;
	(pc) =	sbr.rel @p0 .LBB2_2-.Ltmp3, $4  }
0x6c: {  	[hbm4b:s4+s8] =	stream.strided.scatter [tilespmem:s13], [sflag:$0x3], $0x2000, s9, s8, $0x38;
	[tilespmem:$0x1E700] =	vst v63  }
0x6d: {  	_ =	swait.ge [sflag:s14], $0x2000  }
0x6e: {  	[sflag:s14] =	ssyncset.done $0x0  }
0x6f: {  	[sflag:s14] =	ssyncadd.s32 $0xFFFFE000  }
.LBB2_7:
0x70: {  	_ =	sfence.sel $0x180000  }
0x71: {  	[bflag:$0x0] =	sbarrier.arrive $0xFFFF  }
0x72: {  	p0 =	sne.s32 s1, $0x0;
	_ =	strace $0x90000047  }
0x73: {  	s0 =	sadd.s32 @!p0 $0x100000, s0;
	[bflag:$0x2] =	sbarrier.arrive $0xFFFF  }
0x74: {  	[sflag:s0] =	ssyncadd.tile.s32 @!p0 $0x1;
	_ =	shalt  }
.Lfunc_end2:
_tile_overlayer_lowered:
.L_overlay_start_2:
0x75: {  	(tag) =	ssettag $0x2  }
0x76: {  	s0 =	rddreg [dreg:$0x0];
	s2 =	stileid.u32  }
0x77: {  	s1 =	rddreg [dreg:$0x1];
	p0 =	sne.s32 s2, $0x0  }
0x78: {  	s3 =	rddreg [dreg:$0x2];
	[bflag:$0x3] =	sbarrier.arrive $0xFFFF;
	s2 =	simm.s32 @!p0 $0x1C03  }
0x79: {  	[timem:s3], [sflag:s2] =	dma.local @!p0 [hbm:s0], s1  }
0x7a: {  	s0 =	simm.s32 @!p0 $0x3  }
0x7b: {  	_ =	swait.ge @!p0 [sflag:s0], s1  }
0x7c: {  	s1 =	ssub.s32 @!p0 $0x0, s1;
	[sflag:s0] =	ssyncset.done @!p0 $0x0  }
0x7d: {  	[sflag:s0] =	ssyncadd.s32 @!p0 s1  }
0x7e: {  	[bflag:$0x3] =	sbarrier.arrive $0xFFFF  }
0x7f: {  	_ =	shalt  }

</sc_bundles>
